<compile_context>
chip_gen: v7x
topology: tpu7x:2x2x1
jax: 0.10.2.dev20260603
libtpu: 0.0.44.dev20260713+nightly
codegen_flags: <defaults>
</compile_context>

<pallas_src>
import functools

import jax
import jax.numpy as jnp
from jax import lax
from jax.experimental import pallas as pl
from jax.experimental.pallas import tpu as pltpu
from jax.experimental.pallas import tpu_sc as plsc

_H = 16
_TW = 256
_P = _TW * _TW


def _sc_gather_bias(tab_t, idx_flat):
    info = plsc.get_sparse_core_info()
    nc, ns = info.num_cores, info.num_subcores
    nw = nc * ns
    halves = nw // _H
    per = _P // halves
    tab_row = tab_t.shape[1]
    mesh = plsc.VectorSubcoreMesh(core_axis_name="c", subcore_axis_name="s")

    @functools.partial(
        pl.kernel,
        mesh=mesh,
        out_type=jax.ShapeDtypeStruct((_H, _P), jnp.float32),
        compiler_params=pltpu.CompilerParams(
            needs_layout_passes=False,
            disable_bounds_checks=True,
        ),
        scratch_types=[
            pltpu.VMEM((per,), jnp.int32),
            pltpu.VMEM((tab_row,), jnp.float32),
            pltpu.VMEM((per,), jnp.float32),
            pltpu.SemaphoreType.DMA,
            pltpu.SemaphoreType.DMA,
            pltpu.SemaphoreType.DMA,
            pltpu.SemaphoreType.DMA,
        ],
    )
    def k(tab_hbm, idx_hbm, out_hbm, idx_v, tab_v, out_v, s0, s1, st, so):
        wid = lax.axis_index("s") * nc + lax.axis_index("c")
        h = wid % _H
        base = (wid // _H) * per
        nch = 4
        ch = per // nch
        sems = (s0, s1)
        tab_cp = pltpu.make_async_copy(tab_hbm.at[h], tab_v, st)
        tab_cp.start()
        idx_cp = [
            pltpu.make_async_copy(
                idx_hbm.at[pl.ds(base + kk * ch, ch)],
                idx_v.at[pl.ds(kk * ch, ch)], sems[kk % 2])
            for kk in range(nch)
        ]
        out_cp = [
            pltpu.make_async_copy(
                out_v.at[pl.ds(kk * ch, ch)],
                out_hbm.at[h, pl.ds(base + kk * ch, ch)], so)
            for kk in range(nch)
        ]
        idx_cp[0].start()
        idx_cp[1].start()
        tab_cp.wait()
        for kk in range(nch):
            idx_cp[kk].wait()
            if kk + 2 < nch:
                idx_cp[kk + 2].start()
            lo = kk * ch

            @plsc.parallel_loop(lo, lo + ch, step=16, unroll=8)
            def body(i):
                out_v[pl.ds(i, 16)] = plsc.load_gather(
                    tab_v, [idx_v[pl.ds(i, 16)]])

            out_cp[kk].start()
        for kk in range(nch):
            out_cp[kk].wait()

    return k(tab_t, idx_flat)


def _tc_add(x, bias, bb=2):
    b_count = x.shape[0]

    def body(x_ref, b_ref, o_ref):
        o_ref[...] = x_ref[...] + b_ref[...]

    return pl.pallas_call(
        body,
        grid=(b_count // bb,),
        in_specs=[
            pl.BlockSpec((bb, _H, _TW, _TW), lambda b: (b, 0, 0, 0)),
            pl.BlockSpec((1, _H, _TW, _TW), lambda b: (0, 0, 0, 0)),
        ],
        out_specs=pl.BlockSpec((bb, _H, _TW, _TW), lambda b: (b, 0, 0, 0)),
        out_shape=jax.ShapeDtypeStruct(x.shape, x.dtype),
    )(x, bias)


def kernel(x, relative_position_bias_table, relative_position_index):
    tab_t = jnp.pad(relative_position_bias_table.T, ((0, 0), (0, 7)))
    idx_flat = relative_position_index.reshape(-1)
    bias = _sc_gather_bias(tab_t, idx_flat)
    return _tc_add(x, bias.reshape(1, _H, _TW, _TW))

# --- scband reference (transcript-rebuilt; emitter-appended) ---
"""Pipeline reference for scband-relative-positional-bias-80900003988025 (READ-ONLY COPY).

The authoritative reference and input builder live on the scoring server;
editing this copy changes nothing except your own understanding.
"""

import jax, jax.numpy as jnp
import numpy as np

WINDOW_SIZE = (16, 16)
NUM_HEADS = 16


def _relative_position_index(window_size):
    coords = jnp.stack(jnp.meshgrid(*[jnp.arange(i) for i in window_size], indexing='ij'))
    coords_flatten = coords.reshape(len(window_size), -1)
    relative_coords = coords_flatten[:, :, None] - coords_flatten[:, None, :]
    relative_coords = jnp.transpose(relative_coords, (1, 2, 0))
    offsets = jnp.array([w - 1 for w in window_size], dtype=relative_coords.dtype)
    relative_coords = relative_coords + offsets
    table_len = 1
    for w in window_size:
        table_len *= 2 * w - 1
    mults = []
    t = table_len
    for i in range(len(window_size) - 1):
        t = t // (2 * window_size[i] - 1)
        mults.append(t)
    mults.append(1)
    relative_coords = relative_coords * jnp.array(mults, dtype=relative_coords.dtype)
    return relative_coords.sum(-1)


def setup_inputs(seed: int = 0) -> dict:
    key = jax.random.key(seed)
    k1, k2 = jax.random.split(key)
    total_window_size = 1
    table_len = 1
    for w in WINDOW_SIZE:
        total_window_size *= w
        table_len *= 2 * w - 1
    x = jax.random.normal(k1, (32, NUM_HEADS, total_window_size, total_window_size), dtype=jnp.float32)
    relative_position_bias_table = 0.02 * jax.random.normal(k2, (table_len, NUM_HEADS), dtype=jnp.float32)
    relative_position_index = _relative_position_index(WINDOW_SIZE).astype(jnp.int32)
    return {
        'x': x,
        'relative_position_bias_table': relative_position_bias_table,
        'relative_position_index': relative_position_index,
    }


def reference(x, relative_position_bias_table, relative_position_index):
    total_window_size = relative_position_index.shape[0]
    bias = jnp.take(relative_position_bias_table, relative_position_index.reshape(-1), axis=0)
    bias = bias.reshape(total_window_size, total_window_size, -1)
    bias = jnp.transpose(bias, (2, 0, 1))
    return x + bias

if __name__ == "__main__":
    import jax
    _d = setup_inputs()
    print(jax.jit(kernel)(*tuple(_d.values())))

</pallas_src>

<mosaic_0001>
#map = affine_map<(d0, d1) -> (0, 0)>
#map1 = affine_map<(d0, d1) -> (0)>
module attributes {stable_mosaic.version = 14 : i64} {
  func.func @k(%arg0: i32, %arg1: i32, %arg2: memref<16x968xf32, #tpu.memory_space<hbm>>, %arg3: memref<65536xi32, #tpu.memory_space<hbm>>, %arg4: memref<16x65536xf32, #tpu.memory_space<hbm>>, %arg5: memref<32768xi32, #tpu.memory_space<vmem>>, %arg6: memref<968xf32, #tpu.memory_space<vmem>>, %arg7: memref<32768xf32, #tpu.memory_space<vmem>>, %arg8: memref<!tpu.dma_semaphore, #tpu.memory_space<semaphore_mem>>, %arg9: memref<!tpu.dma_semaphore, #tpu.memory_space<semaphore_mem>>, %arg10: memref<!tpu.dma_semaphore, #tpu.memory_space<semaphore_mem>>, %arg11: memref<!tpu.dma_semaphore, #tpu.memory_space<semaphore_mem>>) attributes {dimension_semantics = [#tpu.dimension_semantics<core_parallel>, #tpu.dimension_semantics<subcore_parallel>], iteration_bounds = array<i64: 2, 16>, scalar_prefetch = 0 : i64, scratch_operands = 7 : i64, tpu.core_type = #tpu.core_type<sc_vector_subcore>, window_params = [{transform_indices = #map}, {transform_indices = #map1}, {transform_indices = #map}]} {
    %mul3A = arith.constant 2 : i32
    %mul3A_0 = arith.muli %arg1, %mul3A : i32
    %add3A = arith.addi %mul3A_0, %arg0 : i32
    %jit3A = arith.constant 16 : i32
    %eq3A = arith.constant 0 : i32
    %eq3A_1 = arith.cmpi eq, %jit3A, %eq3A : i32
    %jit3A_2 = arith.constant 1 : i32
    %select_n3A = arith.select %eq3A_1, %jit3A_2, %jit3A : i32
    %rem3A = arith.remsi %add3A, %select_n3A : i32
    %ne3A = arith.constant 0 : i32
    %ne3A_3 = arith.cmpi ne, %rem3A, %ne3A : i32
    %lt3A = arith.constant 0 : i32
    %lt3A_4 = arith.cmpi slt, %rem3A, %lt3A : i32
    %lt3A_5 = arith.constant 0 : i32
    %lt3A_6 = arith.cmpi slt, %select_n3A, %lt3A_5 : i32
    %ne3A_7 = arith.xori %lt3A_4, %lt3A_6 : i1
    %and3A = arith.andi %ne3A_7, %ne3A_3 : i1
    %add3A_8 = arith.addi %rem3A, %select_n3A : i32
    %select_n3A_9 = arith.select %and3A, %add3A_8, %rem3A : i32
    %jit3A_10 = arith.constant 16 : i32
    %div3A = arith.divsi %add3A, %jit3A_10 : i32
    %sign3A = arith.constant 0 : i32
    %sign3A_11 = arith.cmpi sgt, %add3A, %sign3A : i32
    %sign3A_12 = arith.extui %sign3A_11 : i1 to i32
    %sign3A_13 = arith.constant 0 : i32
    %sign3A_14 = arith.cmpi slt, %add3A, %sign3A_13 : i32
    %sign3A_15 = arith.extui %sign3A_14 : i1 to i32
    %sign3A_16 = arith.subi %sign3A_12, %sign3A_15 : i32
    %sign3A_17 = arith.constant 0 : i32
    %sign3A_18 = arith.cmpi sgt, %jit3A_10, %sign3A_17 : i32
    %sign3A_19 = arith.extui %sign3A_18 : i1 to i32
    %sign3A_20 = arith.constant 0 : i32
    %sign3A_21 = arith.cmpi slt, %jit3A_10, %sign3A_20 : i32
    %sign3A_22 = arith.extui %sign3A_21 : i1 to i32
    %sign3A_23 = arith.subi %sign3A_19, %sign3A_22 : i32
    %ne3A_24 = arith.cmpi ne, %sign3A_16, %sign3A_23 : i32
    %rem3A_25 = arith.remsi %add3A, %jit3A_10 : i32
    %ne3A_26 = arith.constant 0 : i32
    %ne3A_27 = arith.cmpi ne, %rem3A_25, %ne3A_26 : i32
    %and3A_28 = arith.andi %ne3A_24, %ne3A_27 : i1
    %sub3A = arith.constant 1 : i32
    %sub3A_29 = arith.subi %div3A, %sub3A : i32
    %select_n3A_30 = arith.select %and3A_28, %sub3A_29, %div3A : i32
    %mul3A_31 = arith.constant 32768 : i32
    %mul3A_32 = arith.muli %select_n3A_30, %mul3A_31 : i32
    %dma_start3A = arith.constant 0 : i32
    %dma_start3A_33 = tpu.memref_slice %arg2[%select_n3A_9, %dma_start3A] : memref<16x968xf32, #tpu.memory_space<hbm>> -> memref<1x968xf32, #tpu.memory_space<hbm>>
    %dma_start3A_34 = tpu.memref_squeeze %dma_start3A_33 : memref<1x968xf32, #tpu.memory_space<hbm>> -> memref<968xf32, #tpu.memory_space<hbm>>
    %dma_start3A_35 = arith.constant 0 : i32
    %dma_start3A_36 = tpu.memref_slice %arg2[%select_n3A_9, %dma_start3A_35] : memref<16x968xf32, #tpu.memory_space<hbm>> -> memref<1x968xf32, #tpu.memory_space<hbm>>
    %dma_start3A_37 = tpu.memref_squeeze %dma_start3A_36 : memref<1x968xf32, #tpu.memory_space<hbm>> -> memref<968xf32, #tpu.memory_space<hbm>>
    tpu.enqueue_dma source(%dma_start3A_37 : memref<968xf32, #tpu.memory_space<hbm>>) target(%arg6 : memref<968xf32, #tpu.memory_space<vmem>>) target_semaphore(%arg10 : memref<!tpu.dma_semaphore, #tpu.memory_space<semaphore_mem>>)
    %add3A_38 = arith.constant 0 : i32
    %add3A_39 = arith.addi %mul3A_32, %add3A_38 : i32
    %add3A_40 = arith.constant 8192 : i32
    %add3A_41 = arith.addi %mul3A_32, %add3A_40 : i32
    %add3A_42 = arith.constant 16384 : i32
    %add3A_43 = arith.addi %mul3A_32, %add3A_42 : i32
    %add3A_44 = arith.constant 24576 : i32
    %add3A_45 = arith.addi %mul3A_32, %add3A_44 : i32
    %add3A_46 = arith.constant 0 : i32
    %add3A_47 = arith.addi %mul3A_32, %add3A_46 : i32
    %add3A_48 = arith.constant 8192 : i32
    %add3A_49 = arith.addi %mul3A_32, %add3A_48 : i32
    %add3A_50 = arith.constant 16384 : i32
    %add3A_51 = arith.addi %mul3A_32, %add3A_50 : i32
    %add3A_52 = arith.constant 24576 : i32
    %add3A_53 = arith.addi %mul3A_32, %add3A_52 : i32
    %dma_start3A_54 = arith.constant 0 : i32
    %dma_start3A_55 = tpu.memref_slice %arg5[%dma_start3A_54] : memref<32768xi32, #tpu.memory_space<vmem>> -> memref<8192xi32, #tpu.memory_space<vmem>>
    %dma_start3A_56 = tpu.memref_slice %arg3[%add3A_39] : memref<65536xi32, #tpu.memory_space<hbm>> -> memref<8192xi32, #tpu.memory_space<hbm>>
    %dma_start3A_57 = arith.constant 0 : i32
    %dma_start3A_58 = tpu.memref_slice %arg5[%dma_start3A_57] : memref<32768xi32, #tpu.memory_space<vmem>> -> memref<8192xi32, #tpu.memory_space<vmem>>
    %dma_start3A_59 = tpu.memref_slice %arg3[%add3A_39] : memref<65536xi32, #tpu.memory_space<hbm>> -> memref<8192xi32, #tpu.memory_space<hbm>>
    tpu.enqueue_dma source(%dma_start3A_59 : memref<8192xi32, #tpu.memory_space<hbm>>) target(%dma_start3A_58 : memref<8192xi32, #tpu.memory_space<vmem>>) target_semaphore(%arg8 : memref<!tpu.dma_semaphore, #tpu.memory_space<semaphore_mem>>)
    %dma_start3A_60 = arith.constant 8192 : i32
    %dma_start3A_61 = tpu.memref_slice %arg5[%dma_start3A_60] : memref<32768xi32, #tpu.memory_space<vmem>> -> memref<8192xi32, #tpu.memory_space<vmem>>
    %dma_start3A_62 = tpu.memref_slice %arg3[%add3A_41] : memref<65536xi32, #tpu.memory_space<hbm>> -> memref<8192xi32, #tpu.memory_space<hbm>>
    %dma_start3A_63 = arith.constant 8192 : i32
    %dma_start3A_64 = tpu.memref_slice %arg5[%dma_start3A_63] : memref<32768xi32, #tpu.memory_space<vmem>> -> memref<8192xi32, #tpu.memory_space<vmem>>
    %dma_start3A_65 = tpu.memref_slice %arg3[%add3A_41] : memref<65536xi32, #tpu.memory_space<hbm>> -> memref<8192xi32, #tpu.memory_space<hbm>>
    tpu.enqueue_dma source(%dma_start3A_65 : memref<8192xi32, #tpu.memory_space<hbm>>) target(%dma_start3A_64 : memref<8192xi32, #tpu.memory_space<vmem>>) target_semaphore(%arg9 : memref<!tpu.dma_semaphore, #tpu.memory_space<semaphore_mem>>)
    %dma_wait3A = arith.constant 0 : i32
    %dma_wait3A_66 = tpu.memref_slice %arg2[%select_n3A_9, %dma_wait3A] : memref<16x968xf32, #tpu.memory_space<hbm>> -> memref<1x968xf32, #tpu.memory_space<hbm>>
    %dma_wait3A_67 = tpu.memref_squeeze %dma_wait3A_66 : memref<1x968xf32, #tpu.memory_space<hbm>> -> memref<968xf32, #tpu.memory_space<hbm>>
    %dma_wait3A_68 = arith.constant 0 : i32
    %dma_wait3A_69 = tpu.memref_slice %arg2[%select_n3A_9, %dma_wait3A_68] : memref<16x968xf32, #tpu.memory_space<hbm>> -> memref<1x968xf32, #tpu.memory_space<hbm>>
    %dma_wait3A_70 = tpu.memref_squeeze %dma_wait3A_69 : memref<1x968xf32, #tpu.memory_space<hbm>> -> memref<968xf32, #tpu.memory_space<hbm>>
    tpu.wait_dma2 semaphore(%arg10 : memref<!tpu.dma_semaphore, #tpu.memory_space<semaphore_mem>>) src(%dma_wait3A_70 : memref<968xf32, #tpu.memory_space<hbm>>) dst(%arg6 : memref<968xf32, #tpu.memory_space<vmem>>)
    %dma_wait3A_71 = arith.constant 0 : i32
    %dma_wait3A_72 = tpu.memref_slice %arg5[%dma_wait3A_71] : memref<32768xi32, #tpu.memory_space<vmem>> -> memref<8192xi32, #tpu.memory_space<vmem>>
    %dma_wait3A_73 = tpu.memref_slice %arg3[%add3A_39] : memref<65536xi32, #tpu.memory_space<hbm>> -> memref<8192xi32, #tpu.memory_space<hbm>>
    %dma_wait3A_74 = arith.constant 0 : i32
    %dma_wait3A_75 = tpu.memref_slice %arg5[%dma_wait3A_74] : memref<32768xi32, #tpu.memory_space<vmem>> -> memref<8192xi32, #tpu.memory_space<vmem>>
    %dma_wait3A_76 = tpu.memref_slice %arg3[%add3A_39] : memref<65536xi32, #tpu.memory_space<hbm>> -> memref<8192xi32, #tpu.memory_space<hbm>>
    tpu.wait_dma2 semaphore(%arg8 : memref<!tpu.dma_semaphore, #tpu.memory_space<semaphore_mem>>) src(%dma_wait3A_76 : memref<8192xi32, #tpu.memory_space<hbm>>) dst(%dma_wait3A_75 : memref<8192xi32, #tpu.memory_space<vmem>>)
    %dma_start3A_77 = arith.constant 16384 : i32
    %dma_start3A_78 = tpu.memref_slice %arg5[%dma_start3A_77] : memref<32768xi32, #tpu.memory_space<vmem>> -> memref<8192xi32, #tpu.memory_space<vmem>>
    %dma_start3A_79 = tpu.memref_slice %arg3[%add3A_43] : memref<65536xi32, #tpu.memory_space<hbm>> -> memref<8192xi32, #tpu.memory_space<hbm>>
    %dma_start3A_80 = arith.constant 16384 : i32
    %dma_start3A_81 = tpu.memref_slice %arg5[%dma_start3A_80] : memref<32768xi32, #tpu.memory_space<vmem>> -> memref<8192xi32, #tpu.memory_space<vmem>>
    %dma_start3A_82 = tpu.memref_slice %arg3[%add3A_43] : memref<65536xi32, #tpu.memory_space<hbm>> -> memref<8192xi32, #tpu.memory_space<hbm>>
    tpu.enqueue_dma source(%dma_start3A_82 : memref<8192xi32, #tpu.memory_space<hbm>>) target(%dma_start3A_81 : memref<8192xi32, #tpu.memory_space<vmem>>) target_semaphore(%arg8 : memref<!tpu.dma_semaphore, #tpu.memory_space<semaphore_mem>>)
    %parallel_loop3A = arith.constant 0 : i32
    %parallel_loop3A_83 = arith.constant 8192 : i32
    %parallel_loop3A_84 = arith.constant 16 : i32
    scf.for %parallel_loop3A_182 = %parallel_loop3A to %parallel_loop3A_83 step %parallel_loop3A_84  : i32 {
      %parallel_loop3A_183 = arith.index_cast %parallel_loop3A_182 : i32 to index
      %parallel_loop3A_184 = tpu.vector_load %arg5[%parallel_loop3A_183] {strides = array<i32>} : memref<32768xi32, #tpu.memory_space<vmem>>, vector<16xi32>,
      %parallel_loop3A_185 = tpu.vector_load_idx %arg6[%parallel_loop3A_184] : memref<968xf32, #tpu.memory_space<vmem>>[vector<16xi32>], vector<16xf32>,
      %parallel_loop3A_186 = arith.index_cast %parallel_loop3A_182 : i32 to index
      %parallel_loop3A_187 = tpu.vector_load %arg7[%parallel_loop3A_186] {strides = array<i32>} : memref<32768xf32, #tpu.memory_space<vmem>>, vector<16xf32>,
      tpu.vector_store %arg7[%parallel_loop3A_186], %parallel_loop3A_185 {strides = array<i32>} : memref<32768xf32, #tpu.memory_space<vmem>>, vector<16xf32>,
    } {sc.loop_unroll_factor = 8 : i64, sc.parallel_access}
    %dma_start3A_85 = arith.constant 0 : i32
    %dma_start3A_86 = tpu.memref_slice %arg7[%dma_start3A_85] : memref<32768xf32, #tpu.memory_space<vmem>> -> memref<8192xf32, #tpu.memory_space<vmem>>
    %dma_start3A_87 = tpu.memref_slice %arg4[%select_n3A_9, %add3A_47] : memref<16x65536xf32, #tpu.memory_space<hbm>> -> memref<1x8192xf32, #tpu.memory_space<hbm>>
    %dma_start3A_88 = tpu.memref_squeeze %dma_start3A_87 : memref<1x8192xf32, #tpu.memory_space<hbm>> -> memref<8192xf32, #tpu.memory_space<hbm>>
    %dma_start3A_89 = tpu.memref_slice %arg4[%select_n3A_9, %add3A_47] : memref<16x65536xf32, #tpu.memory_space<hbm>> -> memref<1x8192xf32, #tpu.memory_space<hbm>>
    %dma_start3A_90 = tpu.memref_squeeze %dma_start3A_89 : memref<1x8192xf32, #tpu.memory_space<hbm>> -> memref<8192xf32, #tpu.memory_space<hbm>>
    %dma_start3A_91 = arith.constant 0 : i32
    %dma_start3A_92 = tpu.memref_slice %arg7[%dma_start3A_91] : memref<32768xf32, #tpu.memory_space<vmem>> -> memref<8192xf32, #tpu.memory_space<vmem>>
    tpu.enqueue_dma source(%dma_start3A_92 : memref<8192xf32, #tpu.memory_space<vmem>>) target(%dma_start3A_90 : memref<8192xf32, #tpu.memory_space<hbm>>) target_semaphore(%arg11 : memref<!tpu.dma_semaphore, #tpu.memory_space<semaphore_mem>>)
    %dma_wait3A_93 = arith.constant 8192 : i32
    %dma_wait3A_94 = tpu.memref_slice %arg5[%dma_wait3A_93] : memref<32768xi32, #tpu.memory_space<vmem>> -> memref<8192xi32, #tpu.memory_space<vmem>>
    %dma_wait3A_95 = tpu.memref_slice %arg3[%add3A_41] : memref<65536xi32, #tpu.memory_space<hbm>> -> memref<8192xi32, #tpu.memory_space<hbm>>
    %dma_wait3A_96 = arith.constant 8192 : i32
    %dma_wait3A_97 = tpu.memref_slice %arg5[%dma_wait3A_96] : memref<32768xi32, #tpu.memory_space<vmem>> -> memref<8192xi32, #tpu.memory_space<vmem>>
    %dma_wait3A_98 = tpu.memref_slice %arg3[%add3A_41] : memref<65536xi32, #tpu.memory_space<hbm>> -> memref<8192xi32, #tpu.memory_space<hbm>>
    tpu.wait_dma2 semaphore(%arg9 : memref<!tpu.dma_semaphore, #tpu.memory_space<semaphore_mem>>) src(%dma_wait3A_98 : memref<8192xi32, #tpu.memory_space<hbm>>) dst(%dma_wait3A_97 : memref<8192xi32, #tpu.memory_space<vmem>>)
    %dma_start3A_99 = arith.constant 24576 : i32
    %dma_start3A_100 = tpu.memref_slice %arg5[%dma_start3A_99] : memref<32768xi32, #tpu.memory_space<vmem>> -> memref<8192xi32, #tpu.memory_space<vmem>>
    %dma_start3A_101 = tpu.memref_slice %arg3[%add3A_45] : memref<65536xi32, #tpu.memory_space<hbm>> -> memref<8192xi32, #tpu.memory_space<hbm>>
    %dma_start3A_102 = arith.constant 24576 : i32
    %dma_start3A_103 = tpu.memref_slice %arg5[%dma_start3A_102] : memref<32768xi32, #tpu.memory_space<vmem>> -> memref<8192xi32, #tpu.memory_space<vmem>>
    %dma_start3A_104 = tpu.memref_slice %arg3[%add3A_45] : memref<65536xi32, #tpu.memory_space<hbm>> -> memref<8192xi32, #tpu.memory_space<hbm>>
    tpu.enqueue_dma source(%dma_start3A_104 : memref<8192xi32, #tpu.memory_space<hbm>>) target(%dma_start3A_103 : memref<8192xi32, #tpu.memory_space<vmem>>) target_semaphore(%arg9 : memref<!tpu.dma_semaphore, #tpu.memory_space<semaphore_mem>>)
    %parallel_loop3A_105 = arith.constant 8192 : i32
    %parallel_loop3A_106 = arith.constant 16384 : i32
    %parallel_loop3A_107 = arith.constant 16 : i32
    scf.for %parallel_loop3A_182 = %parallel_loop3A_105 to %parallel_loop3A_106 step %parallel_loop3A_107  : i32 {
      %parallel_loop3A_183 = arith.index_cast %parallel_loop3A_182 : i32 to index
      %parallel_loop3A_184 = tpu.vector_load %arg5[%parallel_loop3A_183] {strides = array<i32>} : memref<32768xi32, #tpu.memory_space<vmem>>, vector<16xi32>,
      %parallel_loop3A_185 = tpu.vector_load_idx %arg6[%parallel_loop3A_184] : memref<968xf32, #tpu.memory_space<vmem>>[vector<16xi32>], vector<16xf32>,
      %parallel_loop3A_186 = arith.index_cast %parallel_loop3A_182 : i32 to index
      %parallel_loop3A_187 = tpu.vector_load %arg7[%parallel_loop3A_186] {strides = array<i32>} : memref<32768xf32, #tpu.memory_space<vmem>>, vector<16xf32>,
      tpu.vector_store %arg7[%parallel_loop3A_186], %parallel_loop3A_185 {strides = array<i32>} : memref<32768xf32, #tpu.memory_space<vmem>>, vector<16xf32>,
    } {sc.loop_unroll_factor = 8 : i64, sc.parallel_access}
    %dma_start3A_108 = arith.constant 8192 : i32
    %dma_start3A_109 = tpu.memref_slice %arg7[%dma_start3A_108] : memref<32768xf32, #tpu.memory_space<vmem>> -> memref<8192xf32, #tpu.memory_space<vmem>>
    %dma_start3A_110 = tpu.memref_slice %arg4[%select_n3A_9, %add3A_49] : memref<16x65536xf32, #tpu.memory_space<hbm>> -> memref<1x8192xf32, #tpu.memory_space<hbm>>
    %dma_start3A_111 = tpu.memref_squeeze %dma_start3A_110 : memref<1x8192xf32, #tpu.memory_space<hbm>> -> memref<8192xf32, #tpu.memory_space<hbm>>
    %dma_start3A_112 = tpu.memref_slice %arg4[%select_n3A_9, %add3A_49] : memref<16x65536xf32, #tpu.memory_space<hbm>> -> memref<1x8192xf32, #tpu.memory_space<hbm>>
    %dma_start3A_113 = tpu.memref_squeeze %dma_start3A_112 : memref<1x8192xf32, #tpu.memory_space<hbm>> -> memref<8192xf32, #tpu.memory_space<hbm>>
    %dma_start3A_114 = arith.constant 8192 : i32
    %dma_start3A_115 = tpu.memref_slice %arg7[%dma_start3A_114] : memref<32768xf32, #tpu.memory_space<vmem>> -> memref<8192xf32, #tpu.memory_space<vmem>>
    tpu.enqueue_dma source(%dma_start3A_115 : memref<8192xf32, #tpu.memory_space<vmem>>) target(%dma_start3A_113 : memref<8192xf32, #tpu.memory_space<hbm>>) target_semaphore(%arg11 : memref<!tpu.dma_semaphore, #tpu.memory_space<semaphore_mem>>)
    %dma_wait3A_116 = arith.constant 16384 : i32
    %dma_wait3A_117 = tpu.memref_slice %arg5[%dma_wait3A_116] : memref<32768xi32, #tpu.memory_space<vmem>> -> memref<8192xi32, #tpu.memory_space<vmem>>
    %dma_wait3A_118 = tpu.memref_slice %arg3[%add3A_43] : memref<65536xi32, #tpu.memory_space<hbm>> -> memref<8192xi32, #tpu.memory_space<hbm>>
    %dma_wait3A_119 = arith.constant 16384 : i32
    %dma_wait3A_120 = tpu.memref_slice %arg5[%dma_wait3A_119] : memref<32768xi32, #tpu.memory_space<vmem>> -> memref<8192xi32, #tpu.memory_space<vmem>>
    %dma_wait3A_121 = tpu.memref_slice %arg3[%add3A_43] : memref<65536xi32, #tpu.memory_space<hbm>> -> memref<8192xi32, #tpu.memory_space<hbm>>
    tpu.wait_dma2 semaphore(%arg8 : memref<!tpu.dma_semaphore, #tpu.memory_space<semaphore_mem>>) src(%dma_wait3A_121 : memref<8192xi32, #tpu.memory_space<hbm>>) dst(%dma_wait3A_120 : memref<8192xi32, #tpu.memory_space<vmem>>)
    %parallel_loop3A_122 = arith.constant 16384 : i32
    %parallel_loop3A_123 = arith.constant 24576 : i32
    %parallel_loop3A_124 = arith.constant 16 : i32
    scf.for %parallel_loop3A_182 = %parallel_loop3A_122 to %parallel_loop3A_123 step %parallel_loop3A_124  : i32 {
      %parallel_loop3A_183 = arith.index_cast %parallel_loop3A_182 : i32 to index
      %parallel_loop3A_184 = tpu.vector_load %arg5[%parallel_loop3A_183] {strides = array<i32>} : memref<32768xi32, #tpu.memory_space<vmem>>, vector<16xi32>,
      %parallel_loop3A_185 = tpu.vector_load_idx %arg6[%parallel_loop3A_184] : memref<968xf32, #tpu.memory_space<vmem>>[vector<16xi32>], vector<16xf32>,
      %parallel_loop3A_186 = arith.index_cast %parallel_loop3A_182 : i32 to index
      %parallel_loop3A_187 = tpu.vector_load %arg7[%parallel_loop3A_186] {strides = array<i32>} : memref<32768xf32, #tpu.memory_space<vmem>>, vector<16xf32>,
      tpu.vector_store %arg7[%parallel_loop3A_186], %parallel_loop3A_185 {strides = array<i32>} : memref<32768xf32, #tpu.memory_space<vmem>>, vector<16xf32>,
    } {sc.loop_unroll_factor = 8 : i64, sc.parallel_access}
    %dma_start3A_125 = arith.constant 16384 : i32
    %dma_start3A_126 = tpu.memref_slice %arg7[%dma_start3A_125] : memref<32768xf32, #tpu.memory_space<vmem>> -> memref<8192xf32, #tpu.memory_space<vmem>>
    %dma_start3A_127 = tpu.memref_slice %arg4[%select_n3A_9, %add3A_51] : memref<16x65536xf32, #tpu.memory_space<hbm>> -> memref<1x8192xf32, #tpu.memory_space<hbm>>
    %dma_start3A_128 = tpu.memref_squeeze %dma_start3A_127 : memref<1x8192xf32, #tpu.memory_space<hbm>> -> memref<8192xf32, #tpu.memory_space<hbm>>
    %dma_start3A_129 = tpu.memref_slice %arg4[%select_n3A_9, %add3A_51] : memref<16x65536xf32, #tpu.memory_space<hbm>> -> memref<1x8192xf32, #tpu.memory_space<hbm>>
    %dma_start3A_130 = tpu.memref_squeeze %dma_start3A_129 : memref<1x8192xf32, #tpu.memory_space<hbm>> -> memref<8192xf32, #tpu.memory_space<hbm>>
    %dma_start3A_131 = arith.constant 16384 : i32
    %dma_start3A_132 = tpu.memref_slice %arg7[%dma_start3A_131] : memref<32768xf32, #tpu.memory_space<vmem>> -> memref<8192xf32, #tpu.memory_space<vmem>>
    tpu.enqueue_dma source(%dma_start3A_132 : memref<8192xf32, #tpu.memory_space<vmem>>) target(%dma_start3A_130 : memref<8192xf32, #tpu.memory_space<hbm>>) target_semaphore(%arg11 : memref<!tpu.dma_semaphore, #tpu.memory_space<semaphore_mem>>)
    %dma_wait3A_133 = arith.constant 24576 : i32
    %dma_wait3A_134 = tpu.memref_slice %arg5[%dma_wait3A_133] : memref<32768xi32, #tpu.memory_space<vmem>> -> memref<8192xi32, #tpu.memory_space<vmem>>
    %dma_wait3A_135 = tpu.memref_slice %arg3[%add3A_45] : memref<65536xi32, #tpu.memory_space<hbm>> -> memref<8192xi32, #tpu.memory_space<hbm>>
    %dma_wait3A_136 = arith.constant 24576 : i32
    %dma_wait3A_137 = tpu.memref_slice %arg5[%dma_wait3A_136] : memref<32768xi32, #tpu.memory_space<vmem>> -> memref<8192xi32, #tpu.memory_space<vmem>>
    %dma_wait3A_138 = tpu.memref_slice %arg3[%add3A_45] : memref<65536xi32, #tpu.memory_space<hbm>> -> memref<8192xi32, #tpu.memory_space<hbm>>
    tpu.wait_dma2 semaphore(%arg9 : memref<!tpu.dma_semaphore, #tpu.memory_space<semaphore_mem>>) src(%dma_wait3A_138 : memref<8192xi32, #tpu.memory_space<hbm>>) dst(%dma_wait3A_137 : memref<8192xi32, #tpu.memory_space<vmem>>)
    %parallel_loop3A_139 = arith.constant 24576 : i32
    %parallel_loop3A_140 = arith.constant 32768 : i32
    %parallel_loop3A_141 = arith.constant 16 : i32
    scf.for %parallel_loop3A_182 = %parallel_loop3A_139 to %parallel_loop3A_140 step %parallel_loop3A_141  : i32 {
      %parallel_loop3A_183 = arith.index_cast %parallel_loop3A_182 : i32 to index
      %parallel_loop3A_184 = tpu.vector_load %arg5[%parallel_loop3A_183] {strides = array<i32>} : memref<32768xi32, #tpu.memory_space<vmem>>, vector<16xi32>,
      %parallel_loop3A_185 = tpu.vector_load_idx %arg6[%parallel_loop3A_184] : memref<968xf32, #tpu.memory_space<vmem>>[vector<16xi32>], vector<16xf32>,
      %parallel_loop3A_186 = arith.index_cast %parallel_loop3A_182 : i32 to index
      %parallel_loop3A_187 = tpu.vector_load %arg7[%parallel_loop3A_186] {strides = array<i32>} : memref<32768xf32, #tpu.memory_space<vmem>>, vector<16xf32>,
      tpu.vector_store %arg7[%parallel_loop3A_186], %parallel_loop3A_185 {strides = array<i32>} : memref<32768xf32, #tpu.memory_space<vmem>>, vector<16xf32>,
    } {sc.loop_unroll_factor = 8 : i64, sc.parallel_access}
    %dma_start3A_142 = arith.constant 24576 : i32
    %dma_start3A_143 = tpu.memref_slice %arg7[%dma_start3A_142] : memref<32768xf32, #tpu.memory_space<vmem>> -> memref<8192xf32, #tpu.memory_space<vmem>>
    %dma_start3A_144 = tpu.memref_slice %arg4[%select_n3A_9, %add3A_53] : memref<16x65536xf32, #tpu.memory_space<hbm>> -> memref<1x8192xf32, #tpu.memory_space<hbm>>
    %dma_start3A_145 = tpu.memref_squeeze %dma_start3A_144 : memref<1x8192xf32, #tpu.memory_space<hbm>> -> memref<8192xf32, #tpu.memory_space<hbm>>
    %dma_start3A_146 = tpu.memref_slice %arg4[%select_n3A_9, %add3A_53] : memref<16x65536xf32, #tpu.memory_space<hbm>> -> memref<1x8192xf32, #tpu.memory_space<hbm>>
    %dma_start3A_147 = tpu.memref_squeeze %dma_start3A_146 : memref<1x8192xf32, #tpu.memory_space<hbm>> -> memref<8192xf32, #tpu.memory_space<hbm>>
    %dma_start3A_148 = arith.constant 24576 : i32
    %dma_start3A_149 = tpu.memref_slice %arg7[%dma_start3A_148] : memref<32768xf32, #tpu.memory_space<vmem>> -> memref<8192xf32, #tpu.memory_space<vmem>>
    tpu.enqueue_dma source(%dma_start3A_149 : memref<8192xf32, #tpu.memory_space<vmem>>) target(%dma_start3A_147 : memref<8192xf32, #tpu.memory_space<hbm>>) target_semaphore(%arg11 : memref<!tpu.dma_semaphore, #tpu.memory_space<semaphore_mem>>)
    %dma_wait3A_150 = arith.constant 0 : i32
    %dma_wait3A_151 = tpu.memref_slice %arg7[%dma_wait3A_150] : memref<32768xf32, #tpu.memory_space<vmem>> -> memref<8192xf32, #tpu.memory_space<vmem>>
    %dma_wait3A_152 = tpu.memref_slice %arg4[%select_n3A_9, %add3A_47] : memref<16x65536xf32, #tpu.memory_space<hbm>> -> memref<1x8192xf32, #tpu.memory_space<hbm>>
    %dma_wait3A_153 = tpu.memref_squeeze %dma_wait3A_152 : memref<1x8192xf32, #tpu.memory_space<hbm>> -> memref<8192xf32, #tpu.memory_space<hbm>>
    %dma_wait3A_154 = tpu.memref_slice %arg4[%select_n3A_9, %add3A_47] : memref<16x65536xf32, #tpu.memory_space<hbm>> -> memref<1x8192xf32, #tpu.memory_space<hbm>>
    %dma_wait3A_155 = tpu.memref_squeeze %dma_wait3A_154 : memref<1x8192xf32, #tpu.memory_space<hbm>> -> memref<8192xf32, #tpu.memory_space<hbm>>
    %dma_wait3A_156 = arith.constant 0 : i32
    %dma_wait3A_157 = tpu.memref_slice %arg7[%dma_wait3A_156] : memref<32768xf32, #tpu.memory_space<vmem>> -> memref<8192xf32, #tpu.memory_space<vmem>>
    tpu.wait_dma2 semaphore(%arg11 : memref<!tpu.dma_semaphore, #tpu.memory_space<semaphore_mem>>) src(%dma_wait3A_157 : memref<8192xf32, #tpu.memory_space<vmem>>) dst(%dma_wait3A_155 : memref<8192xf32, #tpu.memory_space<hbm>>)
    %dma_wait3A_158 = arith.constant 8192 : i32
    %dma_wait3A_159 = tpu.memref_slice %arg7[%dma_wait3A_158] : memref<32768xf32, #tpu.memory_space<vmem>> -> memref<8192xf32, #tpu.memory_space<vmem>>
    %dma_wait3A_160 = tpu.memref_slice %arg4[%select_n3A_9, %add3A_49] : memref<16x65536xf32, #tpu.memory_space<hbm>> -> memref<1x8192xf32, #tpu.memory_space<hbm>>
    %dma_wait3A_161 = tpu.memref_squeeze %dma_wait3A_160 : memref<1x8192xf32, #tpu.memory_space<hbm>> -> memref<8192xf32, #tpu.memory_space<hbm>>
    %dma_wait3A_162 = tpu.memref_slice %arg4[%select_n3A_9, %add3A_49] : memref<16x65536xf32, #tpu.memory_space<hbm>> -> memref<1x8192xf32, #tpu.memory_space<hbm>>
    %dma_wait3A_163 = tpu.memref_squeeze %dma_wait3A_162 : memref<1x8192xf32, #tpu.memory_space<hbm>> -> memref<8192xf32, #tpu.memory_space<hbm>>
    %dma_wait3A_164 = arith.constant 8192 : i32
    %dma_wait3A_165 = tpu.memref_slice %arg7[%dma_wait3A_164] : memref<32768xf32, #tpu.memory_space<vmem>> -> memref<8192xf32, #tpu.memory_space<vmem>>
    tpu.wait_dma2 semaphore(%arg11 : memref<!tpu.dma_semaphore, #tpu.memory_space<semaphore_mem>>) src(%dma_wait3A_165 : memref<8192xf32, #tpu.memory_space<vmem>>) dst(%dma_wait3A_163 : memref<8192xf32, #tpu.memory_space<hbm>>)
    %dma_wait3A_166 = arith.constant 16384 : i32
    %dma_wait3A_167 = tpu.memref_slice %arg7[%dma_wait3A_166] : memref<32768xf32, #tpu.memory_space<vmem>> -> memref<8192xf32, #tpu.memory_space<vmem>>
    %dma_wait3A_168 = tpu.memref_slice %arg4[%select_n3A_9, %add3A_51] : memref<16x65536xf32, #tpu.memory_space<hbm>> -> memref<1x8192xf32, #tpu.memory_space<hbm>>
    %dma_wait3A_169 = tpu.memref_squeeze %dma_wait3A_168 : memref<1x8192xf32, #tpu.memory_space<hbm>> -> memref<8192xf32, #tpu.memory_space<hbm>>
    %dma_wait3A_170 = tpu.memref_slice %arg4[%select_n3A_9, %add3A_51] : memref<16x65536xf32, #tpu.memory_space<hbm>> -> memref<1x8192xf32, #tpu.memory_space<hbm>>
    %dma_wait3A_171 = tpu.memref_squeeze %dma_wait3A_170 : memref<1x8192xf32, #tpu.memory_space<hbm>> -> memref<8192xf32, #tpu.memory_space<hbm>>
    %dma_wait3A_172 = arith.constant 16384 : i32
    %dma_wait3A_173 = tpu.memref_slice %arg7[%dma_wait3A_172] : memref<32768xf32, #tpu.memory_space<vmem>> -> memref<8192xf32, #tpu.memory_space<vmem>>
    tpu.wait_dma2 semaphore(%arg11 : memref<!tpu.dma_semaphore, #tpu.memory_space<semaphore_mem>>) src(%dma_wait3A_173 : memref<8192xf32, #tpu.memory_space<vmem>>) dst(%dma_wait3A_171 : memref<8192xf32, #tpu.memory_space<hbm>>)
    %dma_wait3A_174 = arith.constant 24576 : i32
    %dma_wait3A_175 = tpu.memref_slice %arg7[%dma_wait3A_174] : memref<32768xf32, #tpu.memory_space<vmem>> -> memref<8192xf32, #tpu.memory_space<vmem>>
    %dma_wait3A_176 = tpu.memref_slice %arg4[%select_n3A_9, %add3A_53] : memref<16x65536xf32, #tpu.memory_space<hbm>> -> memref<1x8192xf32, #tpu.memory_space<hbm>>
    %dma_wait3A_177 = tpu.memref_squeeze %dma_wait3A_176 : memref<1x8192xf32, #tpu.memory_space<hbm>> -> memref<8192xf32, #tpu.memory_space<hbm>>
    %dma_wait3A_178 = tpu.memref_slice %arg4[%select_n3A_9, %add3A_53] : memref<16x65536xf32, #tpu.memory_space<hbm>> -> memref<1x8192xf32, #tpu.memory_space<hbm>>
    %dma_wait3A_179 = tpu.memref_squeeze %dma_wait3A_178 : memref<1x8192xf32, #tpu.memory_space<hbm>> -> memref<8192xf32, #tpu.memory_space<hbm>>
    %dma_wait3A_180 = arith.constant 24576 : i32
    %dma_wait3A_181 = tpu.memref_slice %arg7[%dma_wait3A_180] : memref<32768xf32, #tpu.memory_space<vmem>> -> memref<8192xf32, #tpu.memory_space<vmem>>
    tpu.wait_dma2 semaphore(%arg11 : memref<!tpu.dma_semaphore, #tpu.memory_space<semaphore_mem>>) src(%dma_wait3A_181 : memref<8192xf32, #tpu.memory_space<vmem>>) dst(%dma_wait3A_179 : memref<8192xf32, #tpu.memory_space<hbm>>)
    return
  }
}

module attributes {stable_mosaic.version = 14 : i64} {
  func.func @body(%arg0: i32, %arg1: memref<2x16x256x256xf32, #tpu.memory_space<vmem>>, %arg2: memref<1x16x256x256xf32, #tpu.memory_space<vmem>>, %arg3: memref<2x16x256x256xf32, #tpu.memory_space<vmem>>) attributes {dimension_semantics = [#tpu.dimension_semantics<arbitrary>], iteration_bounds = array<i64: 16>, scalar_prefetch = 0 : i64, scratch_operands = 0 : i64, tpu.core_type = #tpu.core_type<tc>, window_params = [{transform_indices = @transform_0, window_bounds = array<i64: 2, 16, 256, 256>}, {pipeline_mode = #tpu.pipeline_mode<synchronous>, transform_indices = @transform_1, window_bounds = array<i64: 1, 16, 256, 256>}, {transform_indices = @transform_2, window_bounds = array<i64: 2, 16, 256, 256>}]} {
    %get3A = arith.constant 0 : index
    %get3A_0 = arith.constant 0 : index
    %get3A_1 = arith.constant 0 : index
    %get3A_2 = arith.constant 0 : index
    %get3A_3 = vector.load %arg1[%get3A, %get3A_0, %get3A_1, %get3A_2] : memref<2x16x256x256xf32, #tpu.memory_space<vmem>>, vector<2x16x256x256xf32>
    %get3A_4 = arith.constant 0 : index
    %get3A_5 = arith.constant 0 : index
    %get3A_6 = arith.constant 0 : index
    %get3A_7 = arith.constant 0 : index
    %get3A_8 = vector.load %arg2[%get3A_4, %get3A_5, %get3A_6, %get3A_7] : memref<1x16x256x256xf32, #tpu.memory_space<vmem>>, vector<1x16x256x256xf32>
    %add3A = vector.broadcast %get3A_8 : vector<1x16x256x256xf32> to vector<2x16x256x256xf32>
    %add3A_9 = arith.addf %get3A_3, %add3A : vector<2x16x256x256xf32>
    %swap3A = arith.constant 0 : index
    %swap3A_10 = arith.constant 0 : index
    %swap3A_11 = arith.constant 0 : index
    %swap3A_12 = arith.constant 0 : index
    %swap3A_13 = vector.load %arg3[%swap3A, %swap3A_10, %swap3A_11, %swap3A_12] : memref<2x16x256x256xf32, #tpu.memory_space<vmem>>, vector<2x16x256x256xf32>
    tpu.vector_store %arg3[%swap3A, %swap3A_10, %swap3A_11, %swap3A_12], %add3A_9 {strides = array<i32>} : memref<2x16x256x256xf32, #tpu.memory_space<vmem>>, vector<2x16x256x256xf32>,
    return
  }
  func.func @transform_0(%arg0: i32) -> (i32, i32, i32, i32) {
    %c0_i32 = arith.constant 0 : i32
    %c0_i32_0 = arith.constant 0 : i32
    %c0_i32_1 = arith.constant 0 : i32
    %c0_i32_2 = arith.constant 0 : i32
    return %arg0, %c0_i32, %c0_i32_0, %c0_i32_1 : i32, i32, i32, i32
  }
  func.func @transform_1(%arg0: i32) -> (i32, i32, i32, i32) {
    %c0_i32 = arith.constant 0 : i32
    %c0_i32_0 = arith.constant 0 : i32
    %c0_i32_1 = arith.constant 0 : i32
    %c0_i32_2 = arith.constant 0 : i32
    %c0_i32_3 = arith.constant 0 : i32
    return %c0_i32, %c0_i32_0, %c0_i32_1, %c0_i32_2 : i32, i32, i32, i32
  }
  func.func @transform_2(%arg0: i32) -> (i32, i32, i32, i32) {
    %c0_i32 = arith.constant 0 : i32
    %c0_i32_0 = arith.constant 0 : i32
    %c0_i32_1 = arith.constant 0 : i32
    %c0_i32_2 = arith.constant 0 : i32
    return %arg0, %c0_i32, %c0_i32_0, %c0_i32_1 : i32, i32, i32, i32
  }
}

</mosaic_0001>

<sc_bundles>
// kernel: kernel.4.cloned.1.call-start
scs
__scs_entry_jumppad:
0x0: {  	(pc) =	sbr.rel $0x88, $3  }
0x1: {  	(tag) =	ssettag $0x0;
	lr =	simm.s32 $0x1  }
0x2: {  	[smem:$0x3F9E] =	sst lr;
	_ =	strace $0xD0000000  }
0x3: {  	_ = 	snop  }
0x4: {  	_ = 	snop  }
0x5: {  	_ = 	snop  }
0x6: {  	_ = 	snop  }
0x7: {  	_ = 	snop  }
__scs_overlays_trampoline_lowered:
0x8: {  	[smem:$0x3FAD] =	sst s0  }
0x9: {  	[smem:$0x3FAE] =	sst s1  }
0xa: {  	[smem:$0x3FAF] =	sst s2  }
0xb: {  	[smem:$0x3FB0] =	sst s3  }
0xc: {  	[smem:$0x3FB1] =	sst s4  }
0xd: {  	[smem:$0x3FB2] =	sst s5  }
0xe: {  	[smem:$0x3FB3] =	sst s6  }
0xf: {  	[smem:$0x3FB4] =	sst s7  }
0x10: {  	[smem:$0x3FB5] =	sst s8  }
0x11: {  	[smem:$0x3FB6] =	sst s9;
	s0 =	simm.s32 @!p0 $0x0  }
0x12: {  	s1 =	sld [smem:$0x3F9C];
	s0 =	simm.s32 @p0 $0x1  }
0x13: {  	[smem:$0x3FB7] =	sst s0;
	s0 =	simm.s32 @!p1 $0x0  }
0x14: {  	s2 =	sld [smem:$0x3F9B];
	s0 =	simm.s32 @p1 $0x1  }
0x15: {  	[smem:$0x3FB8] =	sst s0;
	s0 =	simm.s32 @!p2 $0x0  }
0x16: {  	s3 =	sld [smem:$0x3FDB];
	s0 =	simm.s32 @p2 $0x1  }
0x17: {  	s4 =	simm.s32 $0x1BF5;
	[smem:$0x3FBA] =	sst s0  }
0x18: {  	s0 =	sld [smem:$0x3F9D];
	_ =	swait.ge [sflag:s4], $0x0  }
0x19: {  	s7 =	sld [smem:$0x3F9E]  }
0x1a: {  	s8 =	sadd.s32 $0xFFFFE003, lr  }
0x1b: {  	s9 =	sadd.s32 $0xFFFFFEF7, lr;
	s5 =	simm.s32 $0xFFFFFFFF;
	p2 =	slt.u32 s8, $0xFFFFF086  }
0x1c: {  	p1 =	slt.u32 s9, $0xF7A;
	s5 =	simm.s32 @!p2 $0x0  }
0x1d: {  	s5 =	simm.s32 @p1 $0x1;
	p0 =	seq.s32 s7, s2  }
0x1e: {  	s7 =	smul.u32 @!p0 $0xF7A, s2;
	p2 =	seq.s32 @!p0 s5, $0x0  }
0x1f: {  	s9 =	smul.u32 $0xF7A, s1;
	s8 =	simm.s32 @!p0 $0x1BF5;
	p2 =	por !p2, p0  }
0x20: {  	[sflag:s8] =	ssyncset.s32 @!p0 $0xFFFFF086;
	s6 =	sadd.s32 @!p0 s3, s7;
	s7 =	simm.s32 @!p0 $0x108  }
0x21: {  	s3 =	sadd.s32 s3, s9;
	s6 =	sadd.s32 @!p0 $0x88, s6;
	s7 =	simm.s32 @p2 $0x1082  }
0x22: {  	[simem:s7], [sflag:s8] =	dma.local @!p0 [hbm:s6], $0xF7A  }
0x23: {  	s9 =	sor.u32 $0xD0000000, s2;
	s6 =	simm.s32 $0x108;
	_ =	swait.ge @!p0 [sflag:s8], $0x0  }
0x24: {  	s3 =	sadd.s32 $0x88, s3;
	s6 =	simm.s32 @!p1 $0x1082;
	[sflag:s4] =	ssyncset.s32 $0xFFFFF086  }
0x25: {  	[simem:s6], [sflag:s4] =	dma.local [hbm:s3], $0xF7A  }
0x26: {  	[smem:$0x3F9E] =	sst s1;
	(tag) =	ssettag s2;
	_ =	strace s9  }
0x27: {  	s1 =	sld [smem:$0x3FAE]  }
0x28: {  	s2 =	sld [smem:$0x3FAF]  }
0x29: {  	s4 =	sld [smem:$0x3FB1]  }
0x2a: {  	p0 =	seq.s32 s5, $0x0;
	s5 =	sld [smem:$0x3FB2]  }
0x2b: {  	s6 =	sld [smem:$0x3FB3]  }
0x2c: {  	s7 =	sld [smem:$0x3FB4]  }
0x2d: {  	s3 =	simm.s32 $0x108;
	s8 =	sld [smem:$0x3FB5]  }
0x2e: {  	s3 =	simm.s32 @!p0 $0x1082;
	s9 =	sld [smem:$0x3FB6]  }
0x2f: {  	lr =	sadd.s32 s0, s3;
	s0 =	sld [smem:$0x3FAD]  }
0x30: {  	s3 =	sld [smem:$0x3FB0]  }
0x31: {  	[smem:$0x3FB9] =	sst s10  }
0x32: {  	s10 =	sld [smem:$0x3FB7];
	_ =	sdelay $0x3  }
0x33: {  	p0 =	seq.s32 s10, $0x1;
	s10 =	sld [smem:$0x3FB9];
	_ =	sdelay $0x3  }
0x34: {  	[smem:$0x3FB9] =	sst s10  }
0x35: {  	s10 =	sld [smem:$0x3FB8];
	_ =	sdelay $0x3  }
0x36: {  	p1 =	seq.s32 s10, $0x1;
	s10 =	sld [smem:$0x3FB9];
	_ =	sdelay $0x3  }
0x37: {  	[smem:$0x3FB9] =	sst s10  }
0x38: {  	s10 =	sld [smem:$0x3FBA]  }
0x39: {  	_ = 	snop;
	(pc) =	sbr.ind lr, $3  }
0x3a: {  	_ = 	snop  }
0x3b: {  	_ = 	snop  }
0x3c: {  	p2 =	seq.s32 s10, $0x1;
	s10 =	sld [smem:$0x3FB9]  }
0x3d: {  	_ =	shalt  }
0x3e: {  	_ =	shalt  }
0x3f: {  	_ =	shalt  }
0x40: {  	_ =	shalt  }
0x41: {  	_ =	shalt  }
0x42: {  	_ =	shalt  }
0x43: {  	_ =	shalt  }
0x44: {  	_ =	shalt  }
0x45: {  	_ =	shalt  }
0x46: {  	_ =	shalt  }
0x47: {  	_ =	shalt  }
0x48: {  	_ =	shalt  }
0x49: {  	_ =	shalt  }
0x4a: {  	_ =	shalt  }
0x4b: {  	_ =	shalt  }
0x4c: {  	_ =	shalt  }
0x4d: {  	_ =	shalt  }
0x4e: {  	_ =	shalt  }
0x4f: {  	_ =	shalt  }
0x50: {  	_ =	shalt  }
0x51: {  	_ =	shalt  }
0x52: {  	_ =	shalt  }
0x53: {  	_ =	shalt  }
0x54: {  	_ =	shalt  }
0x55: {  	_ =	shalt  }
0x56: {  	_ =	shalt  }
0x57: {  	_ =	shalt  }
0x58: {  	_ =	shalt  }
0x59: {  	_ =	shalt  }
0x5a: {  	_ =	shalt  }
0x5b: {  	_ =	shalt  }
0x5c: {  	_ =	shalt  }
0x5d: {  	_ =	shalt  }
0x5e: {  	_ =	shalt  }
0x5f: {  	_ =	shalt  }
0x60: {  	_ =	shalt  }
0x61: {  	_ =	shalt  }
0x62: {  	_ =	shalt  }
0x63: {  	_ =	shalt  }
0x64: {  	_ =	shalt  }
0x65: {  	_ =	shalt  }
0x66: {  	_ =	shalt  }
0x67: {  	_ =	shalt  }
0x68: {  	_ =	shalt  }
0x69: {  	_ =	shalt  }
0x6a: {  	_ =	shalt  }
0x6b: {  	_ =	shalt  }
0x6c: {  	_ =	shalt  }
0x6d: {  	_ =	shalt  }
0x6e: {  	_ =	shalt  }
0x6f: {  	_ =	shalt  }
0x70: {  	_ =	shalt  }
0x71: {  	_ =	shalt  }
0x72: {  	_ =	shalt  }
0x73: {  	_ =	shalt  }
0x74: {  	_ =	shalt  }
0x75: {  	_ =	shalt  }
0x76: {  	_ =	shalt  }
0x77: {  	_ =	shalt  }
0x78: {  	_ =	shalt  }
0x79: {  	_ =	shalt  }
0x7a: {  	_ =	shalt  }
0x7b: {  	_ =	shalt  }
0x7c: {  	_ =	shalt  }
0x7d: {  	_ =	shalt  }
0x7e: {  	_ =	shalt  }
0x7f: {  	_ =	shalt  }
0x80: {  	_ =	shalt  }
0x81: {  	_ =	shalt  }
0x82: {  	_ =	shalt  }
0x83: {  	_ =	shalt  }
0x84: {  	_ =	shalt  }
0x85: {  	_ =	shalt  }
0x86: {  	_ =	shalt  }
0x87: {  	_ =	shalt  }
.Lfunc_end0:
.L_simem_size_0:
called_computation_lowered:
.L_overlay_start_0:
0x88: {  	s2 =	sld [smem:$0x3FD9]  }
0x89: {  	s3 =	sld [smem:$0x3FFE];
	_ =	sdelay $0x1  }
0x8a: {  	s1 =	srdreg.scid  }
0x8b: {  	s0 =	sand.u32 $0x1, s1  }
0x8c: {  	s17 =	sshll.u32 s0, $0xA;
	s2 =	sadd.s32 s3, s2  }
0x8d: {  	s2 =	sadd.s32 s2, s17  }
0x8e: {  	[smem:$0x3FC5] =	sst s2  }
0x8f: {  	_ = 	snop  }
0x90: {  	s2 =	sld [smem:$0x3FD0];
	(tm) =	ssettm $0x1  }
0x91: {  	s18 =	sld [smem:$0x3FFB];
	_ =	sdelay $0x3  }
0x92: {  	_ =	strace s18  }
0x93: {  	s3 =	sld [smem:$0x3FFC];
	_ =	sdelay $0x3  }
0x94: {  	_ =	strace s3  }
0x95: {  	s3 =	sld [smem:$0x3FFD];
	_ =	sdelay $0x3  }
0x96: {  	_ =	strace s3  }
0x97: {  	_ =	strace $0x8FFFFFFF  }
0x98: {  	s19 =	sld [smem:$0x3FDB];
	_ =	sdelay $0x1  }
0x99: {  	s4 =	simm.s32 $_scs_section_size  }
0x9a: {  	s5 =	simm.s32 $_size__tile_overlayer_lowered;
	s6 =	simm.s32 $_tile_overlayer_lowered  }
0x9b: {  	s22 =	simm.s32 $0x1BFF;
	s21 =	sshll.u32 s6, $0x1;
	s3 =	sadd.s32 s4, s19  }
0x9c: {  	s7 =	simm.s32 $0x0;
	s20 =	sshll.u32 s5, $0x1;
	s5 =	sadd.s32 s21, s3  }
0x9d: {  	[timem:s7], [sflag:s22] =	dma.local [hbm:s5], s20  }
0x9e: {  	_ =	swait.ge [sflag:s22], s20  }
0x9f: {  	s4 =	ssub.s32 $0x0, s20;
	[sflag:s22] =	ssyncset.done $0x0  }
0xa0: {  	[sflag:s22] =	ssyncadd.s32 s4;
	_ =	sdelay $0x1  }
0xa1: {  	s23 =	simm.s32 $0x1B8B  }
0xa2: {  	_ =	swait.ge [sflag:s23], $0x1  }
0xa3: {  	[sflag:s23] =	ssyncset.done $0x0  }
0xa4: {  	s25 =	simm.s32 $0x1B8E;
	s24 =	sld [smem:$0x3FFE];
	[sflag:s23] =	ssyncadd.s32 $0xFFFFFFFF  }
0xa5: {  	s26 =	simm.s32 $execute0_lowered;
	[smem:$0x3FD2] =	sst s25  }
0xa6: {  	s5 =	sshll.u32 s26, $0x1;
	_ =	strace $0x80000046;
	[dreg:$0x1] =	wrdreg $0xFFFFFFFF  }
0xa7: {  	s28 =	simm.s32 $_size_execute0_lowered;
	s3 =	sadd.s32 s3, s5;
	[dreg:$0x0] =	wrdreg $0x0  }
0xa8: {  	s5 =	sshll.u32 s28, $0x1;
	[dreg:$0x2] =	wrdreg s3  }
0xa9: {  	[dreg:$0x3] =	wrdreg s5  }
0xaa: {  	[dreg:$0x4] =	wrdreg $0xC0  }
0xab: {  	_ =	task [dreg:s7], $0x5FFFF  }
0xac: {  	[dreg:$0x1] =	wrdreg $0xFFFFFFFF  }
0xad: {  	[dreg:$0x0] =	wrdreg $0x60  }
0xae: {  	[dreg:$0x2] =	wrdreg s24  }
0xaf: {  	[dreg:$0x3] =	wrdreg s2  }
0xb0: {  	[dreg:$0x4] =	wrdreg $0x9  }
0xb1: {  	_ =	task.clear_ibuf [dreg:s7], $0x5FFFF;
	_ =	strace $0x90000046  }
0xb2: {  	s29 =	simm.s32 $0x9;
	_ =	strace $0x80000048  }
0xb3: {  	_ =	swait.ge [sflag:s29], $0x1  }
0xb4: {  	[sflag:s29] =	ssyncadd.s32 $0xFFFFFFFF  }
0xb5: {  	_ =	strace $0x90000048  }
0xb6: {  	_ =	sfence  }
0xb7: {  	s30 =	sld [smem:$0x0];
	_ =	sdelay $0x2  }
0xb8: {  	s31 =	sshll.u32 s1, $0xD;
	s1 =	sshrl.u32 s1, $0x2  }
0xb9: {  	s3 =	sand.u32 $0x4000, s31;
	s1 =	sadd.s32 s1, s30  }
0xba: {  	s0 =	sor.u32 s3, s0;
	s1 =	sshll.u32 s1, $0x11  }
0xbb: {  	s0 =	sor.u32 s1, s0  }
0xbc: {  	s0 =	sadd.s32 $0x8F2B, s0  }
0xbd: {  	[sflag:s0] =	ssyncadd.remote.s32 $0x1  }
0xbe: {  	_ =	sfence.sel $0xFFFF  }
0xbf: {  	[dreg:$0x0] =	wrdreg $0xFFFFFFFF;
	(pc) =	sbr.abs _section_cstart, $3  }
0xc0: {  	[dreg:$0x1] =	wrdreg $0xFFFFFFFF  }
0xc1: {  	_ =	task.clear_ibuf [dreg:s7], $0x2FFFF;
	_ =	strace $0x9FFFFFFF  }
0xc2: {  	(tm) =	ssettm $0x7FFFFFFF  }
0xc3: {  	_ =	shalt  }
tec
execute0_lowered:
.L_overlay_start_1:
0x0: {  	(tag) =	ssettag $0x1  }
0x1: {  	s3 =	rddreg [dreg:$0x0];
	s1 =	srdreg.scid  }
0x2: {  	s0 =	stileid.u32;
	s11 =	rddreg [dreg:$0x1]  }
0x3: {  	s17 =	simm.s32 $0x3;
	s28 =	simm.s32 $0x0;
	s4 =	sand.u32 $0x1, s1  }
0x4: {  	s18 =	sshrl.u32 s0, $0x2;
	s2 =	sshll.u32 s0, $0x8;
	s8 =	sadd.s32 $0x400, s3  }
0x5: {  	s7 =	sshrl.u32 s0, $0x3;
	s5 =	sand.u32 $0x1, s18;
	s19 =	sshll.u32 s4, $0x7  }
0x6: {  	s2 =	sand.u32 $0x300, s2;
	s4 =	ssub.s32 $0x2, s4;
	s10 =	sshll.u32 s7, $0x8  }
0x7: {  	s21 =	sshll.u32 s7, $0xC;
	s7 =	sshll.u32 s7, $0x12;
	s18 =	simm.s32 $0x1  }
0x8: {  	s9 =	sor.u32 s19, s2;
	s6 =	sshll.u32 s5, $0xD;
	s2 =	simm.s32 $0x0  }
0x9: {  	s20 =	sshrl.u32 s4, $0x1;
	s13 =	sor.u32 $0x40, s10;
	s14 =	sshll.u32 s5, $0x13  }
0xa: {  	s15 =	sor.u32 $0x80, s10;
	s10 =	sor.u32 $0xC0, s10;
	s19 =	simm.s32 $0x4000  }
0xb: {  	s6 =	sor.u32 s9, s6;
	[smem:$0x7FF] =	sst s2;
	s12 =	ssub.s32 s4, s20  }
0xc: {  	s4 =	sadd.s32 s8, s21;
	s22 =	sshll.u32 s13, $0x4;
	s23 =	sor.u32 s7, s14  }
0xd: {  	s24 =	sshll.u32 s15, $0x4;
	s26 =	sshll.u32 s10, $0x4;
	s13 =	sshll.u32 s13, $0xA  }
0xe: {  	s15 =	sshll.u32 s15, $0xA;
	s10 =	sshll.u32 s10, $0xA;
	s20 =	simm.s32 $0x8400  }
0xf: {  	s21 =	simm.s32 $0x2;
	s6 =	sshrl.u32 s6, $0x3;
	_ =	strace $0x80000047  }
0x10: {  	s5 =	sadd.s32 s8, s22;
	s16 =	sor.u32 s9, s23;
	s13 =	sor.u32 s14, s13  }
0x11: {  	s15 =	sor.u32 s14, s15;
	s10 =	sor.u32 s14, s10;
	s12 =	smax.u32 s12, $0x1  }
0x12: {  	s14 =	simm.s32 $0x400;
	s22 =	simm.s32 $0x6000;
	s23 =	simm.s32 $0xA400  }
0x13: {  	s6 =	sadd.s32 s6, s3;
	s25 =	sshrl.u32 s16, $0x3;
	s13 =	sor.u32 s9, s13  }
0x14: {  	s29 =	sor.u32 s9, s15;
	s10 =	sor.u32 s9, s10;
	s15 =	simm.s32 $0x8000  }
0x15: {  	s16 =	simm.s32 $0x2000;
	s3 =	sadd.s32 $0x2400, s6;
	s6 =	sadd.s32 s8, s24  }
0x16: {  	s7 =	sadd.s32 s11, s25;
	s8 =	sadd.s32 s8, s26;
	s13 =	sshrl.u32 s13, $0x3  }
0x17: {  	s30 =	sshrl.u32 s29, $0x3;
	s31 =	sshrl.u32 s10, $0x3;
	s24 =	simm.s32 $0xC400  }
0x18: {  	s25 =	simm.s32 $0xE400;
	s26 =	simm.s32 $0x4;
	s9 =	sadd.s32 s11, s13  }
0x19: {  	s10 =	sadd.s32 s11, s30;
	s11 =	sadd.s32 s11, s31;
	s13 =	simm.s32 $0x80  }
.LBB2_1:
0x1a: {  	[tilespmem:s15], [sflag:$0x3] =	stream.strided.gather [hbm4b:s3+s13], $0x400, s14, s13, $0x38;
	[tilespmem:$0x10400] =	vst v63  }
0x1b: {  	_ = 	snop  }
0x1c: {  	[tilespmem:s2], [sflag:$0x1] =	stream.linear.gather [hbm4b:s4+s2], $0x2000, $0x38;
	[tilespmem:$0x10400] =	vst v63  }
0x1d: {  	_ = 	snop  }
0x1e: {  	[tilespmem:s16], [sflag:$0x2] =	stream.linear.gather [hbm4b:s5+s2], $0x2000, $0x38;
	[tilespmem:$0x10400] =	vst v63  }
0x1f: {  	_ =	swait.ge [sflag:s17], $0x400  }
0x20: {  	[sflag:s17] =	ssyncset.done $0x0  }
0x21: {  	[sflag:s17] =	ssyncadd.s32 $0xFFFFFC00  }
0x22: {  	_ =	swait.ge [sflag:s18], $0x2000  }
0x23: {  	[sflag:s18] =	ssyncset.done $0x0  }
0x24: {  	s29 =	simm.s32 $0x40;
	[sflag:s18] =	ssyncadd.s32 $0xFFFFE000  }
0x25: {  	[tilespmem:s19], [sflag:$0x1] =	stream.linear.gather [hbm4b:s6+s2], $0x2000, $0x38;
	[tilespmem:$0x10400] =	vst v63  }
0x26: {  	v0 =	vld [tilespmem:s29+$0x30]  }
0x27: {  	v1 =	vld [tilespmem:s29+$0xFFFFFFD0]  }
0x28: {  	v2 =	vld [tilespmem:s29+$0xFFFFFFE0]  }
0x29: {  	v3 =	vld [tilespmem:s29+$0xFFFFFFF0]  }
0x2a: {  	v4 =	vld [tilespmem:s29+$0x0]  }
0x2b: {  	v6 =	vld [tilespmem:s29+$0x10]  }
0x2c: {  	v7 =	vld [tilespmem:s29+$0x20]  }
0x2d: {  	v8 =	vld [tilespmem:s29+$0xFFFFFFC0]  }
0x2e: {  	v9 =	vld.idx.msk [tilespmem:v0+s15+$0x0], $0xffff  }
0x2f: {  	v10 =	vld.idx.msk [tilespmem:v1+s15+$0x0], $0xffff  }
0x30: {  	v5 =	vld.idx.msk [tilespmem:v2+s15+$0x0], $0xffff  }
0x31: {  	v3 =	vld.idx.msk [tilespmem:v3+s15+$0x0], $0xffff  }
0x32: {  	v0 =	vld.idx.msk [tilespmem:v4+s15+$0x0], $0xffff  }
0x33: {  	s29 =	simm.s32 $0x8440;
	v1 =	vld.idx.msk [tilespmem:v6+s15+$0x0], $0xffff  }
0x34: {  	v2 =	vld.idx.msk [tilespmem:v7+s15+$0x0], $0xffff;
	[tilespmem:s29+$0x30] =	vst v9  }
0x35: {  	s30 =	simm.s32 $0x0;
	s31 =	simm.s32 $0xC0;
	v4 =	vld.idx.msk [tilespmem:v8+s15+$0x0], $0xffff;
	[tilespmem:s29+$0xFFFFFFD0] =	vst v10  }
.LBB2_2:
0x36: {  	v6 =	vld [tilespmem:s31+$0x30];
	s30 =	sadd.s32 $0x80, s30;
	[tilespmem:s29+$0xFFFFFFE0] =	vst v5  }
0x37: {  	v5 =	vld [tilespmem:s31+$0xFFFFFFD0];
	p0 =	slt.u32 s30, $0x1F80;
	[tilespmem:s29+$0xFFFFFFF0] =	vst v3  }
0x38: {  	v3 =	vld [tilespmem:s31+$0xFFFFFFE0];
	[tilespmem:s29+$0x0] =	vst v0  }
0x39: {  	v0 =	vld [tilespmem:s31+$0xFFFFFFF0];
	[tilespmem:s29+$0x10] =	vst v1  }
0x3a: {  	v1 =	vld [tilespmem:s31+$0x0];
	[tilespmem:s29+$0x20] =	vst v2  }
0x3b: {  	v2 =	vld [tilespmem:s31+$0x10];
	[tilespmem:s29+$0xFFFFFFC0] =	vst v4  }
0x3c: {  	v4 =	vld [tilespmem:s31+$0x20]  }
0x3d: {  	v7 =	vld [tilespmem:s31+$0xFFFFFFC0]  }
0x3e: {  	v6 =	vld.idx.msk [tilespmem:v6+s15+$0x0], $0xffff  }
0x3f: {  	v8 =	vld.idx.msk [tilespmem:v5+s15+$0x0], $0xffff  }
0x40: {  	v5 =	vld.idx.msk [tilespmem:v3+s15+$0x0], $0xffff  }
.Ltmp0:
0x41: {  	v3 =	vld.idx.msk [tilespmem:v0+s15+$0x0], $0xffff;
	(pc) =	sbr.rel @p0 .LBB2_2-.Ltmp0, $4  }
0x42: {  	v0 =	vld.idx.msk [tilespmem:v1+s15+$0x0], $0xffff  }
0x43: {  	s29 =	sadd.s32 $0x80, s29;
	v1 =	vld.idx.msk [tilespmem:v2+s15+$0x0], $0xffff  }
0x44: {  	v2 =	vld.idx.msk [tilespmem:v4+s15+$0x0], $0xffff;
	[tilespmem:s29+$0x30] =	vst v6  }
0x45: {  	s31 =	sadd.s32 $0x80, s31;
	v4 =	vld.idx.msk [tilespmem:v7+s15+$0x0], $0xffff;
	[tilespmem:s29+$0xFFFFFFD0] =	vst v8  }
0x46: {  	[tilespmem:s29+$0xFFFFFFE0] =	vst v5  }
0x47: {  	[tilespmem:s29+$0xFFFFFFF0] =	vst v3  }
0x48: {  	[tilespmem:s29+$0x0] =	vst v0  }
0x49: {  	[tilespmem:s29+$0x10] =	vst v1  }
0x4a: {  	[tilespmem:s29+$0x20] =	vst v2  }
0x4b: {  	[tilespmem:s29+$0xFFFFFFC0] =	vst v4  }
0x4c: {  	[hbm4b:s7+s13] =	stream.strided.scatter [tilespmem:s20], [sflag:$0x4], $0x2000, s14, s13, $0x38;
	[tilespmem:$0x10400] =	vst v63  }
0x4d: {  	_ =	swait.ge [sflag:s21], $0x2000  }
0x4e: {  	[sflag:s21] =	ssyncset.done $0x0  }
0x4f: {  	s29 =	simm.s32 $0x2070;
	[sflag:s21] =	ssyncadd.s32 $0xFFFFE000  }
0x50: {  	[tilespmem:s22], [sflag:$0x2] =	stream.linear.gather [hbm4b:s8+s2], $0x2000, $0x38;
	[tilespmem:$0x10400] =	vst v63  }
0x51: {  	v0 =	vld [tilespmem:s29+$0x0]  }
0x52: {  	v1 =	vld [tilespmem:s29+$0xFFFFFFA0]  }
0x53: {  	v2 =	vld [tilespmem:s29+$0xFFFFFFB0]  }
0x54: {  	v3 =	vld [tilespmem:s29+$0xFFFFFFC0]  }
0x55: {  	v4 =	vld [tilespmem:s29+$0xFFFFFFD0]  }
0x56: {  	v6 =	vld [tilespmem:s29+$0xFFFFFFE0]  }
0x57: {  	v7 =	vld [tilespmem:s29+$0xFFFFFFF0]  }
0x58: {  	v8 =	vld [tilespmem:s29+$0xFFFFFF90]  }
0x59: {  	v9 =	vld.idx.msk [tilespmem:v0+s15+$0x0], $0xffff  }
0x5a: {  	v10 =	vld.idx.msk [tilespmem:v1+s15+$0x0], $0xffff  }
0x5b: {  	v5 =	vld.idx.msk [tilespmem:v2+s15+$0x0], $0xffff  }
0x5c: {  	v3 =	vld.idx.msk [tilespmem:v3+s15+$0x0], $0xffff  }
0x5d: {  	v0 =	vld.idx.msk [tilespmem:v4+s15+$0x0], $0xffff  }
0x5e: {  	s29 =	simm.s32 $0xA470;
	v1 =	vld.idx.msk [tilespmem:v6+s15+$0x0], $0xffff  }
0x5f: {  	v2 =	vld.idx.msk [tilespmem:v7+s15+$0x0], $0xffff;
	[tilespmem:s29+$0x0] =	vst v9  }
0x60: {  	s30 =	simm.s32 $0x2000;
	s31 =	simm.s32 $0x20F0;
	v4 =	vld.idx.msk [tilespmem:v8+s15+$0x0], $0xffff;
	[tilespmem:s29+$0xFFFFFFA0] =	vst v10  }
.LBB2_4:
0x61: {  	v6 =	vld [tilespmem:s31+$0x0];
	s30 =	sadd.s32 $0x80, s30;
	[tilespmem:s29+$0xFFFFFFB0] =	vst v5  }
0x62: {  	v5 =	vld [tilespmem:s31+$0xFFFFFFA0];
	p0 =	slt.u32 s30, $0x3F80;
	[tilespmem:s29+$0xFFFFFFC0] =	vst v3  }
0x63: {  	v3 =	vld [tilespmem:s31+$0xFFFFFFB0];
	[tilespmem:s29+$0xFFFFFFD0] =	vst v0  }
0x64: {  	v0 =	vld [tilespmem:s31+$0xFFFFFFC0];
	[tilespmem:s29+$0xFFFFFFE0] =	vst v1  }
0x65: {  	v1 =	vld [tilespmem:s31+$0xFFFFFFD0];
	[tilespmem:s29+$0xFFFFFFF0] =	vst v2  }
0x66: {  	v2 =	vld [tilespmem:s31+$0xFFFFFFE0];
	[tilespmem:s29+$0xFFFFFF90] =	vst v4  }
0x67: {  	v4 =	vld [tilespmem:s31+$0xFFFFFFF0]  }
0x68: {  	v7 =	vld [tilespmem:s31+$0xFFFFFF90]  }
0x69: {  	v6 =	vld.idx.msk [tilespmem:v6+s15+$0x0], $0xffff  }
0x6a: {  	v8 =	vld.idx.msk [tilespmem:v5+s15+$0x0], $0xffff  }
0x6b: {  	v5 =	vld.idx.msk [tilespmem:v3+s15+$0x0], $0xffff  }
.Ltmp1:
0x6c: {  	v3 =	vld.idx.msk [tilespmem:v0+s15+$0x0], $0xffff;
	(pc) =	sbr.rel @p0 .LBB2_4-.Ltmp1, $4  }
0x6d: {  	v0 =	vld.idx.msk [tilespmem:v1+s15+$0x0], $0xffff  }
0x6e: {  	s29 =	sadd.s32 $0x80, s29;
	v1 =	vld.idx.msk [tilespmem:v2+s15+$0x0], $0xffff  }
0x6f: {  	v2 =	vld.idx.msk [tilespmem:v4+s15+$0x0], $0xffff;
	[tilespmem:s29+$0x0] =	vst v6  }
0x70: {  	s31 =	sadd.s32 $0x80, s31;
	v4 =	vld.idx.msk [tilespmem:v7+s15+$0x0], $0xffff;
	[tilespmem:s29+$0xFFFFFFA0] =	vst v8  }
0x71: {  	[tilespmem:s29+$0xFFFFFFB0] =	vst v5  }
0x72: {  	[tilespmem:s29+$0xFFFFFFC0] =	vst v3  }
0x73: {  	[tilespmem:s29+$0xFFFFFFD0] =	vst v0  }
0x74: {  	[tilespmem:s29+$0xFFFFFFE0] =	vst v1  }
0x75: {  	[tilespmem:s29+$0xFFFFFFF0] =	vst v2  }
0x76: {  	[tilespmem:s29+$0xFFFFFF90] =	vst v4  }
0x77: {  	[hbm4b:s9+s13] =	stream.strided.scatter [tilespmem:s23], [sflag:$0x4], $0x2000, s14, s13, $0x38;
	[tilespmem:$0x10400] =	vst v63  }
0x78: {  	_ =	swait.ge [sflag:s18], $0x2000  }
0x79: {  	[sflag:s18] =	ssyncset.done $0x0  }
0x7a: {  	s29 =	simm.s32 $0x0;
	[sflag:s18] =	ssyncadd.s32 $0xFFFFE000  }
0x7b: {  	v1 =	vld [tilespmem:s29+$0x4070]  }
0x7c: {  	v2 =	vld [tilespmem:s29+$0x4000]  }
0x7d: {  	v3 =	vld [tilespmem:s29+$0x4010]  }
0x7e: {  	v4 =	vld [tilespmem:s29+$0x4020]  }
0x7f: {  	v7 =	vld [tilespmem:s29+$0x4030]  }
0x80: {  	v8 =	vld [tilespmem:s29+$0x4040]  }
0x81: {  	v9 =	vld [tilespmem:s29+$0x4050]  }
0x82: {  	v0 =	vld [tilespmem:s29+$0x4060]  }
0x83: {  	v10 =	vld.idx.msk [tilespmem:v1+s15+$0x0], $0xffff  }
0x84: {  	v6 =	vld.idx.msk [tilespmem:v2+s15+$0x0], $0xffff  }
0x85: {  	v5 =	vld.idx.msk [tilespmem:v3+s15+$0x0], $0xffff  }
0x86: {  	v4 =	vld.idx.msk [tilespmem:v4+s15+$0x0], $0xffff  }
0x87: {  	v3 =	vld.idx.msk [tilespmem:v7+s15+$0x0], $0xffff  }
0x88: {  	v1 =	vld.idx.msk [tilespmem:v8+s15+$0x0], $0xffff  }
0x89: {  	s30 =	simm.s32 $0x4000;
	s31 =	simm.s32 $0x200;
	v2 =	vld.idx.msk [tilespmem:v9+s15+$0x0], $0xffff;
	[tilespmem:s29+$0xC470] =	vst v10  }
.LBB2_6:
0x8a: {  	s1 =	sshra.s32 s31, $0x2;
	s30 =	sadd.s32 $0x80, s30;
	[tilespmem:s29+$0xC400] =	vst v6;
	v0 =	vld.idx.msk [tilespmem:v0+s15+$0x0], $0xffff  }
0x8b: {  	v6 =	vld [tilespmem:s1+$0x4070];
	p0 =	slt.u32 s30, $0x5F80;
	[tilespmem:s29+$0xC410] =	vst v5  }
0x8c: {  	v5 =	vld [tilespmem:s1+$0x4000];
	[tilespmem:s29+$0xC420] =	vst v4  }
0x8d: {  	v4 =	vld [tilespmem:s1+$0x4010];
	[tilespmem:s29+$0xC430] =	vst v3  }
0x8e: {  	v3 =	vld [tilespmem:s1+$0x4020];
	[tilespmem:s29+$0xC440] =	vst v1  }
0x8f: {  	v1 =	vld [tilespmem:s1+$0x4030];
	[tilespmem:s29+$0xC450] =	vst v2  }
0x90: {  	v2 =	vld [tilespmem:s1+$0x4040];
	[tilespmem:s29+$0xC460] =	vst v0;
	s29 =	smov.u32 s1  }
0x91: {  	v7 =	vld [tilespmem:s29+$0x4050]  }
0x92: {  	v0 =	vld [tilespmem:s29+$0x4060]  }
0x93: {  	v8 =	vld.idx.msk [tilespmem:v6+s15+$0x0], $0xffff  }
0x94: {  	v6 =	vld.idx.msk [tilespmem:v5+s15+$0x0], $0xffff  }
.Ltmp2:
0x95: {  	v5 =	vld.idx.msk [tilespmem:v4+s15+$0x0], $0xffff;
	(pc) =	sbr.rel @p0 .LBB2_6-.Ltmp2, $4  }
0x96: {  	v4 =	vld.idx.msk [tilespmem:v3+s15+$0x0], $0xffff  }
0x97: {  	v3 =	vld.idx.msk [tilespmem:v1+s15+$0x0], $0xffff  }
0x98: {  	v1 =	vld.idx.msk [tilespmem:v2+s15+$0x0], $0xffff  }
0x99: {  	s31 =	sadd.s32 $0x200, s31;
	v2 =	vld.idx.msk [tilespmem:v7+s15+$0x0], $0xffff;
	[tilespmem:s29+$0xC470] =	vst v8  }
0x9a: {  	_ =	sdelay $0x2  }
0x9b: {  	[tilespmem:s29+$0xC400] =	vst v6  }
0x9c: {  	v0 =	vld.idx.msk [tilespmem:v0+s15+$0x0], $0xffff;
	[tilespmem:s29+$0xC410] =	vst v5  }
0x9d: {  	[tilespmem:s29+$0xC420] =	vst v4  }
0x9e: {  	[tilespmem:s29+$0xC430] =	vst v3  }
0x9f: {  	[tilespmem:s29+$0xC440] =	vst v1  }
0xa0: {  	[tilespmem:s29+$0xC450] =	vst v2  }
0xa1: {  	[tilespmem:s29+$0xC460] =	vst v0  }
0xa2: {  	[hbm4b:s10+s13] =	stream.strided.scatter [tilespmem:s24], [sflag:$0x4], $0x2000, s14, s13, $0x38;
	[tilespmem:$0x10400] =	vst v63  }
0xa3: {  	_ =	swait.ge [sflag:s21], $0x2000  }
0xa4: {  	[sflag:s21] =	ssyncset.done $0x0  }
0xa5: {  	s29 =	simm.s32 $0x0;
	[sflag:s21] =	ssyncadd.s32 $0xFFFFE000  }
0xa6: {  	v1 =	vld [tilespmem:s29+$0x6070]  }
0xa7: {  	v2 =	vld [tilespmem:s29+$0x6000]  }
0xa8: {  	v3 =	vld [tilespmem:s29+$0x6010]  }
0xa9: {  	v4 =	vld [tilespmem:s29+$0x6020]  }
0xaa: {  	v7 =	vld [tilespmem:s29+$0x6030]  }
0xab: {  	v8 =	vld [tilespmem:s29+$0x6040]  }
0xac: {  	v9 =	vld [tilespmem:s29+$0x6050]  }
0xad: {  	v0 =	vld [tilespmem:s29+$0x6060]  }
0xae: {  	v10 =	vld.idx.msk [tilespmem:v1+s15+$0x0], $0xffff  }
0xaf: {  	v6 =	vld.idx.msk [tilespmem:v2+s15+$0x0], $0xffff  }
0xb0: {  	v5 =	vld.idx.msk [tilespmem:v3+s15+$0x0], $0xffff  }
0xb1: {  	v4 =	vld.idx.msk [tilespmem:v4+s15+$0x0], $0xffff  }
0xb2: {  	v3 =	vld.idx.msk [tilespmem:v7+s15+$0x0], $0xffff  }
0xb3: {  	v1 =	vld.idx.msk [tilespmem:v8+s15+$0x0], $0xffff  }
0xb4: {  	s30 =	simm.s32 $0x6000;
	s31 =	simm.s32 $0x200;
	v2 =	vld.idx.msk [tilespmem:v9+s15+$0x0], $0xffff;
	[tilespmem:s29+$0xE470] =	vst v10  }
.LBB2_8:
0xb5: {  	s1 =	sshra.s32 s31, $0x2;
	s30 =	sadd.s32 $0x80, s30;
	[tilespmem:s29+$0xE400] =	vst v6;
	v0 =	vld.idx.msk [tilespmem:v0+s15+$0x0], $0xffff  }
0xb6: {  	v6 =	vld [tilespmem:s1+$0x6070];
	p0 =	slt.u32 s30, $0x7F80;
	[tilespmem:s29+$0xE410] =	vst v5  }
0xb7: {  	v5 =	vld [tilespmem:s1+$0x6000];
	[tilespmem:s29+$0xE420] =	vst v4  }
0xb8: {  	v4 =	vld [tilespmem:s1+$0x6010];
	[tilespmem:s29+$0xE430] =	vst v3  }
0xb9: {  	v3 =	vld [tilespmem:s1+$0x6020];
	[tilespmem:s29+$0xE440] =	vst v1  }
0xba: {  	v1 =	vld [tilespmem:s1+$0x6030];
	[tilespmem:s29+$0xE450] =	vst v2  }
0xbb: {  	v2 =	vld [tilespmem:s1+$0x6040];
	[tilespmem:s29+$0xE460] =	vst v0;
	s29 =	smov.u32 s1  }
0xbc: {  	v7 =	vld [tilespmem:s29+$0x6050]  }
0xbd: {  	v0 =	vld [tilespmem:s29+$0x6060]  }
0xbe: {  	v8 =	vld.idx.msk [tilespmem:v6+s15+$0x0], $0xffff  }
0xbf: {  	v6 =	vld.idx.msk [tilespmem:v5+s15+$0x0], $0xffff  }
.Ltmp3:
0xc0: {  	v5 =	vld.idx.msk [tilespmem:v4+s15+$0x0], $0xffff;
	(pc) =	sbr.rel @p0 .LBB2_8-.Ltmp3, $4  }
0xc1: {  	v4 =	vld.idx.msk [tilespmem:v3+s15+$0x0], $0xffff  }
0xc2: {  	v3 =	vld.idx.msk [tilespmem:v1+s15+$0x0], $0xffff  }
0xc3: {  	v1 =	vld.idx.msk [tilespmem:v2+s15+$0x0], $0xffff  }
0xc4: {  	s31 =	sadd.s32 $0x200, s31;
	v2 =	vld.idx.msk [tilespmem:v7+s15+$0x0], $0xffff;
	[tilespmem:s29+$0xE470] =	vst v8  }
0xc5: {  	_ =	sdelay $0x2  }
0xc6: {  	[tilespmem:s29+$0xE400] =	vst v6  }
0xc7: {  	v0 =	vld.idx.msk [tilespmem:v0+s15+$0x0], $0xffff;
	[tilespmem:s29+$0xE410] =	vst v5  }
0xc8: {  	[tilespmem:s29+$0xE420] =	vst v4  }
0xc9: {  	[tilespmem:s29+$0xE430] =	vst v3  }
0xca: {  	[tilespmem:s29+$0xE440] =	vst v1  }
0xcb: {  	[tilespmem:s29+$0xE450] =	vst v2  }
0xcc: {  	[tilespmem:s29+$0xE460] =	vst v0  }
0xcd: {  	[hbm4b:s11+s13] =	stream.strided.scatter [tilespmem:s25], [sflag:$0x4], $0x2000, s14, s13, $0x38;
	[tilespmem:$0x10400] =	vst v63  }
0xce: {  	_ =	swait.ge [sflag:s26], $0x2000  }
0xcf: {  	[sflag:s26] =	ssyncset.done $0x0  }
0xd0: {  	[sflag:s26] =	ssyncadd.s32 $0xFFFFE000  }
0xd1: {  	_ =	swait.ge [sflag:s26], $0x2000  }
0xd2: {  	[sflag:s26] =	ssyncset.done $0x0  }
0xd3: {  	s28 =	sadd.s32 $0x1, s28;
	[sflag:s26] =	ssyncadd.s32 $0xFFFFE000  }
0xd4: {  	p0 =	sne.s32 s28, s12;
	_ =	swait.ge [sflag:s26], $0x2000  }
.Ltmp4:
0xd5: {  	[sflag:s26] =	ssyncset.done $0x0;
	(pc) =	sbr.rel @p0 .LBB2_1-.Ltmp4, $4  }
0xd6: {  	[sflag:s26] =	ssyncadd.s32 $0xFFFFE000  }
0xd7: {  	_ =	swait.ge [sflag:s26], $0x2000  }
0xd8: {  	[sflag:s26] =	ssyncset.done $0x0  }
0xd9: {  	[sflag:s26] =	ssyncadd.s32 $0xFFFFE000  }
0xda: {  	_ =	sfence.sel $0x180000  }
0xdb: {  	[bflag:$0x0] =	sbarrier.arrive $0xFFFF  }
0xdc: {  	_ =	strace $0x90000047  }
0xdd: {  	[bflag:$0x2] =	sbarrier.arrive $0xFFFF  }
0xde: {  	p0 =	sne.s32 s0, $0x0;
	s0 =	rddreg [dreg:$0x2]  }
0xdf: {  	s0 =	sadd.s32 @!p0 $0x100000, s0  }
0xe0: {  	[sflag:s0] =	ssyncadd.tile.s32 @!p0 $0x1;
	_ =	shalt  }
.Lfunc_end2:
_tile_overlayer_lowered:
.L_overlay_start_2:
0xe1: {  	(tag) =	ssettag $0x2  }
0xe2: {  	s0 =	rddreg [dreg:$0x0];
	s2 =	stileid.u32  }
0xe3: {  	s1 =	rddreg [dreg:$0x1];
	p0 =	sne.s32 s2, $0x0  }
0xe4: {  	s3 =	rddreg [dreg:$0x2];
	[bflag:$0x3] =	sbarrier.arrive $0xFFFF;
	s2 =	simm.s32 @!p0 $0x1C05  }
0xe5: {  	[timem:s3], [sflag:s2] =	dma.local @!p0 [hbm:s0], s1  }
0xe6: {  	s0 =	simm.s32 @!p0 $0x5  }
0xe7: {  	_ =	swait.ge @!p0 [sflag:s0], s1  }
0xe8: {  	s1 =	ssub.s32 @!p0 $0x0, s1;
	[sflag:s0] =	ssyncset.done @!p0 $0x0  }
0xe9: {  	[sflag:s0] =	ssyncadd.s32 @!p0 s1  }
0xea: {  	[bflag:$0x3] =	sbarrier.arrive $0xFFFF  }
0xeb: {  	_ =	shalt  }

</sc_bundles>
